<compile_context>
chip_gen: v7x
topology: tpu7x:2x2x1
jax: 0.10.2.dev20260603
libtpu: 0.0.44.dev20260713+nightly
codegen_flags: <defaults>
</compile_context>

<pallas_src>
import functools

import jax
import jax.numpy as jnp
from jax import lax
from jax.experimental import pallas as pl
from jax.experimental.pallas import tpu as pltpu
from jax.experimental.pallas import tpu_sc as plsc

B = 16
A = 3
C10 = 10
G = 152
CELLS = G * G
STRIDE = 4.0
NQ = B * A * CELLS

CHUNK = 5776
CHUNKS_PER_PAIR = CELLS // CHUNK
ROWS_PER_CHUNK = CHUNK // G
N_CHUNKS = B * A * CHUNKS_PER_PAIR
N_WORKERS = 32
CHUNKS_PER_WORKER = N_CHUNKS // N_WORKERS
GROUPS = CHUNK // 16

ANC_W = (12.0, 19.0, 40.0)
ANC_H = (16.0, 36.0, 28.0)

_RCP_MAGIC = 0x7EF311C3


def _rcp(d):
    i = plsc.bitcast(d, jnp.int32)
    x = plsc.bitcast(_RCP_MAGIC - i, jnp.float32)
    x = x * (2.0 - d * x)
    x = x * (2.0 - d * x)
    x = x * (2.0 - d * x)
    return x


def _sigmoid(v):
    e = jnp.exp(-jnp.maximum(v, -30.0))
    return _rcp(1.0 + e)


def _yolo_body(x_hbm, out_hbm, in_v, out_v):
    w = lax.axis_index("s") * 2 + lax.axis_index("c")
    lane = lax.broadcasted_iota(jnp.int32, (16,), 0)

    def chunk_body(t, carry):
        cid = w * CHUNKS_PER_WORKER + t
        pair = cid // CHUNKS_PER_PAIR
        j = cid - pair * CHUNKS_PER_PAIR
        b = pair // A
        a = pair - b * A
        off = j * CHUNK

        pltpu.sync_copy(
            x_hbm.at[b, pl.ds(a * C10, C10), pl.ds(off, CHUNK)], in_v)

        aw = jnp.where(a == 0, ANC_W[0], jnp.where(a == 1, ANC_W[1], ANC_W[2]))
        ah = jnp.where(a == 0, ANC_H[0], jnp.where(a == 1, ANC_H[1], ANC_H[2]))

        gx0 = lane.astype(jnp.float32)
        gy0 = jnp.zeros((16,), jnp.float32) + (ROWS_PER_CHUNK * j).astype(
            jnp.float32)

        def group_body(g, carry2):
            gxf, gyf, base = carry2

            p0 = in_v[0, pl.ds(base, 16)]
            p1 = in_v[1, pl.ds(base, 16)]
            p2 = in_v[2, pl.ds(base, 16)]
            p3 = in_v[3, pl.ds(base, 16)]
            p4 = in_v[4, pl.ds(base, 16)]
            p5 = in_v[5, pl.ds(base, 16)]
            p6 = in_v[6, pl.ds(base, 16)]
            p7 = in_v[7, pl.ds(base, 16)]
            p8 = in_v[8, pl.ds(base, 16)]
            p9 = in_v[9, pl.ds(base, 16)]

            out_v[0, pl.ds(base, 16)] = (_sigmoid(p0) + gxf) * STRIDE
            out_v[1, pl.ds(base, 16)] = (_sigmoid(p1) + gyf) * STRIDE
            out_v[2, pl.ds(base, 16)] = jnp.exp(p2) * aw
            out_v[3, pl.ds(base, 16)] = jnp.exp(p3) * ah
            out_v[4, pl.ds(base, 16)] = p4
            out_v[5, pl.ds(base, 16)] = p5
            out_v[6, pl.ds(base, 16)] = _sigmoid(p6)
            out_v[7, pl.ds(base, 16)] = _sigmoid(p7)
            out_v[8, pl.ds(base, 16)] = _sigmoid(p8)
            out_v[9, pl.ds(base, 16)] = _sigmoid(p9)

            gx2 = gxf + 16.0
            wrap = gx2 >= float(G)
            gxn = jnp.where(wrap, gx2 - float(G), gx2)
            gyn = jnp.where(wrap, gyf + 1.0, gyf)
            return (gxn, gyn, base + 16)

        lax.fori_loop(0, GROUPS, group_body, (gx0, gy0, 0))

        dst = pair * CELLS + off
        pltpu.sync_copy(out_v, out_hbm.at[:, pl.ds(dst, CHUNK)])
        return carry

    lax.fori_loop(0, CHUNKS_PER_WORKER, chunk_body, 0)


_yolo_sc = functools.partial(
    pl.kernel,
    out_type=jax.ShapeDtypeStruct((C10, NQ), jnp.float32),
    mesh=plsc.VectorSubcoreMesh(
        core_axis_name="c", subcore_axis_name="s",
        num_cores=2, num_subcores=16),
    scratch_types=[
        pltpu.VMEM((C10, CHUNK), jnp.float32),
        pltpu.VMEM((C10, CHUNK), jnp.float32),
    ],
    compiler_params=pltpu.CompilerParams(
        use_tc_tiling_on_sc=False, needs_layout_passes=False),
)(_yolo_body)


def kernel(x):
    x3 = x.reshape(B, A * C10, CELLS)
    planar = _yolo_sc(x3)
    return planar.reshape(C10, B, A * CELLS).transpose(1, 2, 0)

# --- scband reference (transcript-rebuilt; emitter-appended) ---
"""Pipeline reference for scband-yolo-layer-37941741093442 (READ-ONLY COPY).

The authoritative reference and input builder live on the scoring server;
editing this copy changes nothing except your own understanding.
"""

import jax, jax.numpy as jnp
import numpy as np

NUM_CLASSES = 3
NUM_ANCHORS = 3
SCALE_X_Y = 1.0
IMG_SIZE = 608
ANCHORS = np.array([[12.0, 16.0, 0.0, 0.0], [19.0, 36.0, 0.0, 0.0], [40.0, 28.0, 0.0, 0.0]], dtype=np.float32)


def setup_inputs(seed: int = 0) -> dict:
    key = jax.random.key(seed)
    x = jax.random.normal(key, (16, NUM_ANCHORS * (NUM_CLASSES + 7), 152, 152), dtype=jnp.float32)
    return {"x": x}


def reference(x):
    B = x.shape[0]
    g = x.shape[2]
    stride = IMG_SIZE / g
    # [B, A, 7+C, g, g] -> [B, A, g, g, 7+C]
    pred = x.reshape(B, NUM_ANCHORS, NUM_CLASSES + 7, g, g).transpose(0, 1, 3, 4, 2)
    bx = jax.nn.sigmoid(pred[..., 0]) * SCALE_X_Y - 0.5 * (SCALE_X_Y - 1.0)
    by = jax.nn.sigmoid(pred[..., 1]) * SCALE_X_Y - 0.5 * (SCALE_X_Y - 1.0)
    w = pred[..., 2]
    h = pred[..., 3]
    im = pred[..., 4]
    re = pred[..., 5]
    pred_conf = jax.nn.sigmoid(pred[..., 6])
    pred_cls = jax.nn.sigmoid(pred[..., 7:])
    # grid offsets (torch: arange repeated along rows / cols)
    grid_x = jnp.arange(g, dtype=jnp.float32).reshape(1, 1, 1, g)
    grid_y = jnp.arange(g, dtype=jnp.float32).reshape(1, 1, g, 1)
    anc = jnp.asarray(ANCHORS)
    anchor_w = (anc[:, 0] / stride).reshape(1, NUM_ANCHORS, 1, 1)
    anchor_h = (anc[:, 1] / stride).reshape(1, NUM_ANCHORS, 1, 1)
    # torch uses .detach() on x, y, w, h for pred_boxes (but NOT on im, re)
    pb_x = jax.lax.stop_gradient(bx) + grid_x
    pb_y = jax.lax.stop_gradient(by) + grid_y
    pb_w = jnp.exp(jax.lax.stop_gradient(w)) * anchor_w
    pb_h = jnp.exp(jax.lax.stop_gradient(h)) * anchor_h
    boxes4 = jnp.stack([pb_x, pb_y, pb_w, pb_h], axis=-1).reshape(B, -1, 4) * stride
    imre = jnp.stack([im, re], axis=-1).reshape(B, -1, 2)
    out = jnp.concatenate([
        boxes4,
        imre,
        pred_conf.reshape(B, -1, 1),
        pred_cls.reshape(B, -1, NUM_CLASSES),
    ], axis=-1)
    return out

if __name__ == "__main__":
    import jax
    _d = setup_inputs()
    print(jax.jit(kernel)(*tuple(_d.values())))

</pallas_src>

<mosaic_0001>
#map = affine_map<(d0, d1) -> (0, 0, 0)>
#map1 = affine_map<(d0, d1) -> (0, 0)>
module attributes {stable_mosaic.version = 14 : i64} {
  func.func @_yolo_body(%arg0: i32, %arg1: i32, %arg2: memref<16x30x23104xf32, #tpu.memory_space<hbm>>, %arg3: memref<10x1108992xf32, #tpu.memory_space<hbm>>, %arg4: memref<10x5776xf32, #tpu.memory_space<vmem>>, %arg5: memref<10x5776xf32, #tpu.memory_space<vmem>>) attributes {dimension_semantics = [#tpu.dimension_semantics<core_parallel>, #tpu.dimension_semantics<subcore_parallel>], iteration_bounds = array<i64: 2, 16>, scalar_prefetch = 0 : i64, scratch_operands = 2 : i64, tpu.core_type = #tpu.core_type<sc_vector_subcore>, window_params = [{transform_indices = #map}, {transform_indices = #map1}]} {
    %mul3A = arith.constant 2 : i32
    %mul3A_0 = arith.muli %arg1, %mul3A : i32
    %add3A = arith.addi %mul3A_0, %arg0 : i32
    %iota3A = tpu.iota {dimensions = array<i32: 0>} : vector<16xi32>
    %scan3A = arith.constant 0 : i32
    %scan3A_1 = arith.constant 0 : i32
    %scan3A_2 = arith.constant 6 : i32
    %scan3A_3 = arith.addi %scan3A_1, %scan3A_2 : i32
    %scan3A_4 = arith.constant 1 : i32
    scf.for %scan3A_6 = %scan3A_1 to %scan3A_3 step %scan3A_4  : i32 {
      %mul3A_7 = arith.constant 6 : i32
      %mul3A_8 = arith.muli %add3A, %mul3A_7 : i32
      %add3A_9 = arith.addi %mul3A_8, %scan3A_6 : i32
      %jit3A = arith.constant 4 : i32
      %div3A = arith.divsi %add3A_9, %jit3A : i32
      %sign3A = arith.constant 0 : i32
      %sign3A_10 = arith.cmpi sgt, %add3A_9, %sign3A : i32
      %sign3A_11 = arith.extui %sign3A_10 : i1 to i32
      %sign3A_12 = arith.constant 0 : i32
      %sign3A_13 = arith.cmpi slt, %add3A_9, %sign3A_12 : i32
      %sign3A_14 = arith.extui %sign3A_13 : i1 to i32
      %sign3A_15 = arith.subi %sign3A_11, %sign3A_14 : i32
      %sign3A_16 = arith.constant 0 : i32
      %sign3A_17 = arith.cmpi sgt, %jit3A, %sign3A_16 : i32
      %sign3A_18 = arith.extui %sign3A_17 : i1 to i32
      %sign3A_19 = arith.constant 0 : i32
      %sign3A_20 = arith.cmpi slt, %jit3A, %sign3A_19 : i32
      %sign3A_21 = arith.extui %sign3A_20 : i1 to i32
      %sign3A_22 = arith.subi %sign3A_18, %sign3A_21 : i32
      %ne3A = arith.cmpi ne, %sign3A_15, %sign3A_22 : i32
      %rem3A = arith.remsi %add3A_9, %jit3A : i32
      %ne3A_23 = arith.constant 0 : i32
      %ne3A_24 = arith.cmpi ne, %rem3A, %ne3A_23 : i32
      %and3A = arith.andi %ne3A, %ne3A_24 : i1
      %sub3A = arith.constant 1 : i32
      %sub3A_25 = arith.subi %div3A, %sub3A : i32
      %select_n3A = arith.select %and3A, %sub3A_25, %div3A : i32
      %mul3A_26 = arith.constant 4 : i32
      %mul3A_27 = arith.muli %select_n3A, %mul3A_26 : i32
      %sub3A_28 = arith.subi %add3A_9, %mul3A_27 : i32
      %jit3A_29 = arith.constant 3 : i32
      %div3A_30 = arith.divsi %select_n3A, %jit3A_29 : i32
      %sign3A_31 = arith.constant 0 : i32
      %sign3A_32 = arith.cmpi sgt, %select_n3A, %sign3A_31 : i32
      %sign3A_33 = arith.extui %sign3A_32 : i1 to i32
      %sign3A_34 = arith.constant 0 : i32
      %sign3A_35 = arith.cmpi slt, %select_n3A, %sign3A_34 : i32
      %sign3A_36 = arith.extui %sign3A_35 : i1 to i32
      %sign3A_37 = arith.subi %sign3A_33, %sign3A_36 : i32
      %sign3A_38 = arith.constant 0 : i32
      %sign3A_39 = arith.cmpi sgt, %jit3A_29, %sign3A_38 : i32
      %sign3A_40 = arith.extui %sign3A_39 : i1 to i32
      %sign3A_41 = arith.constant 0 : i32
      %sign3A_42 = arith.cmpi slt, %jit3A_29, %sign3A_41 : i32
      %sign3A_43 = arith.extui %sign3A_42 : i1 to i32
      %sign3A_44 = arith.subi %sign3A_40, %sign3A_43 : i32
      %ne3A_45 = arith.cmpi ne, %sign3A_37, %sign3A_44 : i32
      %rem3A_46 = arith.remsi %select_n3A, %jit3A_29 : i32
      %ne3A_47 = arith.constant 0 : i32
      %ne3A_48 = arith.cmpi ne, %rem3A_46, %ne3A_47 : i32
      %and3A_49 = arith.andi %ne3A_45, %ne3A_48 : i1
      %sub3A_50 = arith.constant 1 : i32
      %sub3A_51 = arith.subi %div3A_30, %sub3A_50 : i32
      %select_n3A_52 = arith.select %and3A_49, %sub3A_51, %div3A_30 : i32
      %mul3A_53 = arith.constant 3 : i32
      %mul3A_54 = arith.muli %select_n3A_52, %mul3A_53 : i32
      %sub3A_55 = arith.subi %select_n3A, %mul3A_54 : i32
      %mul3A_56 = arith.constant 5776 : i32
      %mul3A_57 = arith.muli %sub3A_28, %mul3A_56 : i32
      %mul3A_58 = arith.constant 10 : i32
      %mul3A_59 = arith.muli %sub3A_55, %mul3A_58 : i32
      "tpu.region"() ({
        %run_scoped3A = tpu.sem_alloc : memref<!tpu.dma_semaphore, #tpu.memory_space<semaphore_mem>>
        %dma_start3A = tpu.memref_slice %arg2[%select_n3A_52, %mul3A_59, %mul3A_57] : memref<16x30x23104xf32, #tpu.memory_space<hbm>> -> memref<1x10x5776xf32, #tpu.memory_space<hbm>>
        %dma_start3A_93 = tpu.memref_squeeze %dma_start3A : memref<1x10x5776xf32, #tpu.memory_space<hbm>> -> memref<10x5776xf32, #tpu.memory_space<hbm>>
        %dma_start3A_94 = tpu.memref_slice %arg2[%select_n3A_52, %mul3A_59, %mul3A_57] : memref<16x30x23104xf32, #tpu.memory_space<hbm>> -> memref<1x10x5776xf32, #tpu.memory_space<hbm>>
        %dma_start3A_95 = tpu.memref_squeeze %dma_start3A_94 : memref<1x10x5776xf32, #tpu.memory_space<hbm>> -> memref<10x5776xf32, #tpu.memory_space<hbm>>
        tpu.enqueue_dma source(%dma_start3A_95 : memref<10x5776xf32, #tpu.memory_space<hbm>>) target(%arg4 : memref<10x5776xf32, #tpu.memory_space<vmem>>) target_semaphore(%run_scoped3A : memref<!tpu.dma_semaphore, #tpu.memory_space<semaphore_mem>>)
        %dma_wait3A = tpu.memref_slice %arg2[%select_n3A_52, %mul3A_59, %mul3A_57] : memref<16x30x23104xf32, #tpu.memory_space<hbm>> -> memref<1x10x5776xf32, #tpu.memory_space<hbm>>
        %dma_wait3A_96 = tpu.memref_squeeze %dma_wait3A : memref<1x10x5776xf32, #tpu.memory_space<hbm>> -> memref<10x5776xf32, #tpu.memory_space<hbm>>
        %dma_wait3A_97 = tpu.memref_slice %arg2[%select_n3A_52, %mul3A_59, %mul3A_57] : memref<16x30x23104xf32, #tpu.memory_space<hbm>> -> memref<1x10x5776xf32, #tpu.memory_space<hbm>>
        %dma_wait3A_98 = tpu.memref_squeeze %dma_wait3A_97 : memref<1x10x5776xf32, #tpu.memory_space<hbm>> -> memref<10x5776xf32, #tpu.memory_space<hbm>>
        tpu.wait_dma2 semaphore(%run_scoped3A : memref<!tpu.dma_semaphore, #tpu.memory_space<semaphore_mem>>) src(%dma_wait3A_98 : memref<10x5776xf32, #tpu.memory_space<hbm>>) dst(%arg4 : memref<10x5776xf32, #tpu.memory_space<vmem>>)
        tpu.yield
      }) : () -> ()
      %eq3A = arith.constant 0 : i32
      %eq3A_60 = arith.cmpi eq, %sub3A_55, %eq3A : i32
      %eq3A_61 = arith.constant 1 : i32
      %eq3A_62 = arith.cmpi eq, %sub3A_55, %eq3A_61 : i32
      %jit3A_63 = arith.constant 1.900000e+01 : f32
      %jit3A_64 = arith.constant 4.000000e+01 : f32
      %select_n3A_65 = arith.select %eq3A_62, %jit3A_63, %jit3A_64 : f32
      %jit3A_66 = arith.constant 1.200000e+01 : f32
      %select_n3A_67 = arith.select %eq3A_60, %jit3A_66, %select_n3A_65 : f32
      %eq3A_68 = arith.constant 0 : i32
      %eq3A_69 = arith.cmpi eq, %sub3A_55, %eq3A_68 : i32
      %eq3A_70 = arith.constant 1 : i32
      %eq3A_71 = arith.cmpi eq, %sub3A_55, %eq3A_70 : i32
      %jit3A_72 = arith.constant 3.600000e+01 : f32
      %jit3A_73 = arith.constant 2.800000e+01 : f32
      %select_n3A_74 = arith.select %eq3A_71, %jit3A_72, %jit3A_73 : f32
      %jit3A_75 = arith.constant 1.600000e+01 : f32
      %select_n3A_76 = arith.select %eq3A_69, %jit3A_75, %select_n3A_74 : f32
      %convert_element_type3A = arith.sitofp %iota3A : vector<16xi32> to vector<16xf32>
      %broadcast_in_dim3A = arith.constant 0.000000e+00 : f32
      %broadcast_in_dim3A_77 = vector.broadcast %broadcast_in_dim3A : f32 to vector<16xf32>
      %mul3A_78 = arith.constant 38 : i32
      %mul3A_79 = arith.muli %mul3A_78, %sub3A_28 : i32
      %convert_element_type3A_80 = arith.sitofp %mul3A_79 : i32 to f32
      %add3A_81 = vector.broadcast %convert_element_type3A_80 : f32 to vector<16xf32>
      %add3A_82 = arith.addf %broadcast_in_dim3A_77, %add3A_81 : vector<16xf32>
      %scan3A_83 = arith.constant 0 : i32
      %scan3A_84 = arith.constant 0 : i32
      %scan3A_85 = arith.constant 361 : i32
      %scan3A_86 = arith.addi %scan3A_84, %scan3A_85 : i32
      %scan3A_87 = arith.constant 1 : i32
      %scan3A_88:3 = scf.for %scan3A_93 = %scan3A_84 to %scan3A_86 step %scan3A_87 iter_args(%scan3A_94 = %convert_element_type3A, %scan3A_95 = %add3A_82, %scan3A_96 = %scan3A_83) -> (vector<16xf32>, vector<16xf32>, i32)  : i32 {
        %get3A = arith.constant 0 : i32
        %get3A_97 = arith.index_cast %get3A : i32 to index
        %get3A_98 = arith.index_cast %scan3A_96 : i32 to index
        %get3A_99 = tpu.vector_load %arg4[%get3A_97, %get3A_98] {strides = array<i32>} : memref<10x5776xf32, #tpu.memory_space<vmem>>, vector<16xf32>,
        %get3A_100 = arith.constant 1 : i32
        %get3A_101 = arith.index_cast %get3A_100 : i32 to index
        %get3A_102 = arith.index_cast %scan3A_96 : i32 to index
        %get3A_103 = tpu.vector_load %arg4[%get3A_101, %get3A_102] {strides = array<i32>} : memref<10x5776xf32, #tpu.memory_space<vmem>>, vector<16xf32>,
        %get3A_104 = arith.constant 2 : i32
        %get3A_105 = arith.index_cast %get3A_104 : i32 to index
        %get3A_106 = arith.index_cast %scan3A_96 : i32 to index
        %get3A_107 = tpu.vector_load %arg4[%get3A_105, %get3A_106] {strides = array<i32>} : memref<10x5776xf32, #tpu.memory_space<vmem>>, vector<16xf32>,
        %get3A_108 = arith.constant 3 : i32
        %get3A_109 = arith.index_cast %get3A_108 : i32 to index
        %get3A_110 = arith.index_cast %scan3A_96 : i32 to index
        %get3A_111 = tpu.vector_load %arg4[%get3A_109, %get3A_110] {strides = array<i32>} : memref<10x5776xf32, #tpu.memory_space<vmem>>, vector<16xf32>,
        %get3A_112 = arith.constant 4 : i32
        %get3A_113 = arith.index_cast %get3A_112 : i32 to index
        %get3A_114 = arith.index_cast %scan3A_96 : i32 to index
        %get3A_115 = tpu.vector_load %arg4[%get3A_113, %get3A_114] {strides = array<i32>} : memref<10x5776xf32, #tpu.memory_space<vmem>>, vector<16xf32>,
        %get3A_116 = arith.constant 5 : i32
        %get3A_117 = arith.index_cast %get3A_116 : i32 to index
        %get3A_118 = arith.index_cast %scan3A_96 : i32 to index
        %get3A_119 = tpu.vector_load %arg4[%get3A_117, %get3A_118] {strides = array<i32>} : memref<10x5776xf32, #tpu.memory_space<vmem>>, vector<16xf32>,
        %get3A_120 = arith.constant 6 : i32
        %get3A_121 = arith.index_cast %get3A_120 : i32 to index
        %get3A_122 = arith.index_cast %scan3A_96 : i32 to index
        %get3A_123 = tpu.vector_load %arg4[%get3A_121, %get3A_122] {strides = array<i32>} : memref<10x5776xf32, #tpu.memory_space<vmem>>, vector<16xf32>,
        %get3A_124 = arith.constant 7 : i32
        %get3A_125 = arith.index_cast %get3A_124 : i32 to index
        %get3A_126 = arith.index_cast %scan3A_96 : i32 to index
        %get3A_127 = tpu.vector_load %arg4[%get3A_125, %get3A_126] {strides = array<i32>} : memref<10x5776xf32, #tpu.memory_space<vmem>>, vector<16xf32>,
        %get3A_128 = arith.constant 8 : i32
        %get3A_129 = arith.index_cast %get3A_128 : i32 to index
        %get3A_130 = arith.index_cast %scan3A_96 : i32 to index
        %get3A_131 = tpu.vector_load %arg4[%get3A_129, %get3A_130] {strides = array<i32>} : memref<10x5776xf32, #tpu.memory_space<vmem>>, vector<16xf32>,
        %get3A_132 = arith.constant 9 : i32
        %get3A_133 = arith.index_cast %get3A_132 : i32 to index
        %get3A_134 = arith.index_cast %scan3A_96 : i32 to index
        %get3A_135 = tpu.vector_load %arg4[%get3A_133, %get3A_134] {strides = array<i32>} : memref<10x5776xf32, #tpu.memory_space<vmem>>, vector<16xf32>,
        %max3A = arith.constant -3.000000e+01 : f32
        %max3A_136 = vector.broadcast %max3A : f32 to vector<16xf32>
        %max3A_137 = arith.maximumf %get3A_99, %max3A_136 : vector<16xf32>
        %neg3A = arith.constant 0.000000e+00 : f32
        %neg3A_138 = vector.broadcast %neg3A : f32 to vector<16xf32>
        %neg3A_139 = arith.subf %neg3A_138, %max3A_137 : vector<16xf32>
        %exp3A = math.exp %neg3A_139 : vector<16xf32>
        %add3A_140 = arith.constant 1.000000e+00 : f32
        %add3A_141 = vector.broadcast %add3A_140 : f32 to vector<16xf32>
        %add3A_142 = arith.addf %add3A_141, %exp3A : vector<16xf32>
        %bitcast3A = vector.bitcast %add3A_142 : vector<16xf32> to vector<16xi32>
        %sub3A_143 = arith.constant 2129859011 : i32
        %sub3A_144 = vector.broadcast %sub3A_143 : i32 to vector<16xi32>
        %sub3A_145 = arith.subi %sub3A_144, %bitcast3A : vector<16xi32>
        %bitcast3A_146 = vector.bitcast %sub3A_145 : vector<16xi32> to vector<16xf32>
        %mul3A_147 = arith.mulf %add3A_142, %bitcast3A_146 : vector<16xf32>
        %sub3A_148 = arith.constant 2.000000e+00 : f32
        %sub3A_149 = vector.broadcast %sub3A_148 : f32 to vector<16xf32>
        %sub3A_150 = arith.subf %sub3A_149, %mul3A_147 : vector<16xf32>
        %mul3A_151 = arith.mulf %bitcast3A_146, %sub3A_150 : vector<16xf32>
        %mul3A_152 = arith.mulf %add3A_142, %mul3A_151 : vector<16xf32>
        %sub3A_153 = arith.constant 2.000000e+00 : f32
        %sub3A_154 = vector.broadcast %sub3A_153 : f32 to vector<16xf32>
        %sub3A_155 = arith.subf %sub3A_154, %mul3A_152 : vector<16xf32>
        %mul3A_156 = arith.mulf %mul3A_151, %sub3A_155 : vector<16xf32>
        %mul3A_157 = arith.mulf %add3A_142, %mul3A_156 : vector<16xf32>
        %sub3A_158 = arith.constant 2.000000e+00 : f32
        %sub3A_159 = vector.broadcast %sub3A_158 : f32 to vector<16xf32>
        %sub3A_160 = arith.subf %sub3A_159, %mul3A_157 : vector<16xf32>
        %mul3A_161 = arith.mulf %mul3A_156, %sub3A_160 : vector<16xf32>
        %add3A_162 = arith.addf %mul3A_161, %scan3A_94 : vector<16xf32>
        %mul3A_163 = arith.constant 4.000000e+00 : f32
        %mul3A_164 = vector.broadcast %mul3A_163 : f32 to vector<16xf32>
        %mul3A_165 = arith.mulf %add3A_162, %mul3A_164 : vector<16xf32>
        %swap3A = arith.constant 0 : i32
        %swap3A_166 = arith.index_cast %swap3A : i32 to index
        %swap3A_167 = arith.index_cast %scan3A_96 : i32 to index
        %swap3A_168 = tpu.vector_load %arg5[%swap3A_166, %swap3A_167] {strides = array<i32>} : memref<10x5776xf32, #tpu.memory_space<vmem>>, vector<16xf32>,
        tpu.vector_store %arg5[%swap3A_166, %swap3A_167], %mul3A_165 {strides = array<i32>} : memref<10x5776xf32, #tpu.memory_space<vmem>>, vector<16xf32>,
        %max3A_169 = arith.constant -3.000000e+01 : f32
        %max3A_170 = vector.broadcast %max3A_169 : f32 to vector<16xf32>
        %max3A_171 = arith.maximumf %get3A_103, %max3A_170 : vector<16xf32>
        %neg3A_172 = arith.constant 0.000000e+00 : f32
        %neg3A_173 = vector.broadcast %neg3A_172 : f32 to vector<16xf32>
        %neg3A_174 = arith.subf %neg3A_173, %max3A_171 : vector<16xf32>
        %exp3A_175 = math.exp %neg3A_174 : vector<16xf32>
        %add3A_176 = arith.constant 1.000000e+00 : f32
        %add3A_177 = vector.broadcast %add3A_176 : f32 to vector<16xf32>
        %add3A_178 = arith.addf %add3A_177, %exp3A_175 : vector<16xf32>
        %bitcast3A_179 = vector.bitcast %add3A_178 : vector<16xf32> to vector<16xi32>
        %sub3A_180 = arith.constant 2129859011 : i32
        %sub3A_181 = vector.broadcast %sub3A_180 : i32 to vector<16xi32>
        %sub3A_182 = arith.subi %sub3A_181, %bitcast3A_179 : vector<16xi32>
        %bitcast3A_183 = vector.bitcast %sub3A_182 : vector<16xi32> to vector<16xf32>
        %mul3A_184 = arith.mulf %add3A_178, %bitcast3A_183 : vector<16xf32>
        %sub3A_185 = arith.constant 2.000000e+00 : f32
        %sub3A_186 = vector.broadcast %sub3A_185 : f32 to vector<16xf32>
        %sub3A_187 = arith.subf %sub3A_186, %mul3A_184 : vector<16xf32>
        %mul3A_188 = arith.mulf %bitcast3A_183, %sub3A_187 : vector<16xf32>
        %mul3A_189 = arith.mulf %add3A_178, %mul3A_188 : vector<16xf32>
        %sub3A_190 = arith.constant 2.000000e+00 : f32
        %sub3A_191 = vector.broadcast %sub3A_190 : f32 to vector<16xf32>
        %sub3A_192 = arith.subf %sub3A_191, %mul3A_189 : vector<16xf32>
        %mul3A_193 = arith.mulf %mul3A_188, %sub3A_192 : vector<16xf32>
        %mul3A_194 = arith.mulf %add3A_178, %mul3A_193 : vector<16xf32>
        %sub3A_195 = arith.constant 2.000000e+00 : f32
        %sub3A_196 = vector.broadcast %sub3A_195 : f32 to vector<16xf32>
        %sub3A_197 = arith.subf %sub3A_196, %mul3A_194 : vector<16xf32>
        %mul3A_198 = arith.mulf %mul3A_193, %sub3A_197 : vector<16xf32>
        %add3A_199 = arith.addf %mul3A_198, %scan3A_95 : vector<16xf32>
        %mul3A_200 = arith.constant 4.000000e+00 : f32
        %mul3A_201 = vector.broadcast %mul3A_200 : f32 to vector<16xf32>
        %mul3A_202 = arith.mulf %add3A_199, %mul3A_201 : vector<16xf32>
        %swap3A_203 = arith.constant 1 : i32
        %swap3A_204 = arith.index_cast %swap3A_203 : i32 to index
        %swap3A_205 = arith.index_cast %scan3A_96 : i32 to index
        %swap3A_206 = tpu.vector_load %arg5[%swap3A_204, %swap3A_205] {strides = array<i32>} : memref<10x5776xf32, #tpu.memory_space<vmem>>, vector<16xf32>,
        tpu.vector_store %arg5[%swap3A_204, %swap3A_205], %mul3A_202 {strides = array<i32>} : memref<10x5776xf32, #tpu.memory_space<vmem>>, vector<16xf32>,
        %exp3A_207 = math.exp %get3A_107 : vector<16xf32>
        %mul3A_208 = vector.broadcast %select_n3A_67 : f32 to vector<16xf32>
        %mul3A_209 = arith.mulf %exp3A_207, %mul3A_208 : vector<16xf32>
        %swap3A_210 = arith.constant 2 : i32
        %swap3A_211 = arith.index_cast %swap3A_210 : i32 to index
        %swap3A_212 = arith.index_cast %scan3A_96 : i32 to index
        %swap3A_213 = tpu.vector_load %arg5[%swap3A_211, %swap3A_212] {strides = array<i32>} : memref<10x5776xf32, #tpu.memory_space<vmem>>, vector<16xf32>,
        tpu.vector_store %arg5[%swap3A_211, %swap3A_212], %mul3A_209 {strides = array<i32>} : memref<10x5776xf32, #tpu.memory_space<vmem>>, vector<16xf32>,
        %exp3A_214 = math.exp %get3A_111 : vector<16xf32>
        %mul3A_215 = vector.broadcast %select_n3A_76 : f32 to vector<16xf32>
        %mul3A_216 = arith.mulf %exp3A_214, %mul3A_215 : vector<16xf32>
        %swap3A_217 = arith.constant 3 : i32
        %swap3A_218 = arith.index_cast %swap3A_217 : i32 to index
        %swap3A_219 = arith.index_cast %scan3A_96 : i32 to index
        %swap3A_220 = tpu.vector_load %arg5[%swap3A_218, %swap3A_219] {strides = array<i32>} : memref<10x5776xf32, #tpu.memory_space<vmem>>, vector<16xf32>,
        tpu.vector_store %arg5[%swap3A_218, %swap3A_219], %mul3A_216 {strides = array<i32>} : memref<10x5776xf32, #tpu.memory_space<vmem>>, vector<16xf32>,
        %swap3A_221 = arith.constant 4 : i32
        %swap3A_222 = arith.index_cast %swap3A_221 : i32 to index
        %swap3A_223 = arith.index_cast %scan3A_96 : i32 to index
        %swap3A_224 = tpu.vector_load %arg5[%swap3A_222, %swap3A_223] {strides = array<i32>} : memref<10x5776xf32, #tpu.memory_space<vmem>>, vector<16xf32>,
        tpu.vector_store %arg5[%swap3A_222, %swap3A_223], %get3A_115 {strides = array<i32>} : memref<10x5776xf32, #tpu.memory_space<vmem>>, vector<16xf32>,
        %swap3A_225 = arith.constant 5 : i32
        %swap3A_226 = arith.index_cast %swap3A_225 : i32 to index
        %swap3A_227 = arith.index_cast %scan3A_96 : i32 to index
        %swap3A_228 = tpu.vector_load %arg5[%swap3A_226, %swap3A_227] {strides = array<i32>} : memref<10x5776xf32, #tpu.memory_space<vmem>>, vector<16xf32>,
        tpu.vector_store %arg5[%swap3A_226, %swap3A_227], %get3A_119 {strides = array<i32>} : memref<10x5776xf32, #tpu.memory_space<vmem>>, vector<16xf32>,
        %max3A_229 = arith.constant -3.000000e+01 : f32
        %max3A_230 = vector.broadcast %max3A_229 : f32 to vector<16xf32>
        %max3A_231 = arith.maximumf %get3A_123, %max3A_230 : vector<16xf32>
        %neg3A_232 = arith.constant 0.000000e+00 : f32
        %neg3A_233 = vector.broadcast %neg3A_232 : f32 to vector<16xf32>
        %neg3A_234 = arith.subf %neg3A_233, %max3A_231 : vector<16xf32>
        %exp3A_235 = math.exp %neg3A_234 : vector<16xf32>
        %add3A_236 = arith.constant 1.000000e+00 : f32
        %add3A_237 = vector.broadcast %add3A_236 : f32 to vector<16xf32>
        %add3A_238 = arith.addf %add3A_237, %exp3A_235 : vector<16xf32>
        %bitcast3A_239 = vector.bitcast %add3A_238 : vector<16xf32> to vector<16xi32>
        %sub3A_240 = arith.constant 2129859011 : i32
        %sub3A_241 = vector.broadcast %sub3A_240 : i32 to vector<16xi32>
        %sub3A_242 = arith.subi %sub3A_241, %bitcast3A_239 : vector<16xi32>
        %bitcast3A_243 = vector.bitcast %sub3A_242 : vector<16xi32> to vector<16xf32>
        %mul3A_244 = arith.mulf %add3A_238, %bitcast3A_243 : vector<16xf32>
        %sub3A_245 = arith.constant 2.000000e+00 : f32
        %sub3A_246 = vector.broadcast %sub3A_245 : f32 to vector<16xf32>
        %sub3A_247 = arith.subf %sub3A_246, %mul3A_244 : vector<16xf32>
        %mul3A_248 = arith.mulf %bitcast3A_243, %sub3A_247 : vector<16xf32>
        %mul3A_249 = arith.mulf %add3A_238, %mul3A_248 : vector<16xf32>
        %sub3A_250 = arith.constant 2.000000e+00 : f32
        %sub3A_251 = vector.broadcast %sub3A_250 : f32 to vector<16xf32>
        %sub3A_252 = arith.subf %sub3A_251, %mul3A_249 : vector<16xf32>
        %mul3A_253 = arith.mulf %mul3A_248, %sub3A_252 : vector<16xf32>
        %mul3A_254 = arith.mulf %add3A_238, %mul3A_253 : vector<16xf32>
        %sub3A_255 = arith.constant 2.000000e+00 : f32
        %sub3A_256 = vector.broadcast %sub3A_255 : f32 to vector<16xf32>
        %sub3A_257 = arith.subf %sub3A_256, %mul3A_254 : vector<16xf32>
        %mul3A_258 = arith.mulf %mul3A_253, %sub3A_257 : vector<16xf32>
        %swap3A_259 = arith.constant 6 : i32
        %swap3A_260 = arith.index_cast %swap3A_259 : i32 to index
        %swap3A_261 = arith.index_cast %scan3A_96 : i32 to index
        %swap3A_262 = tpu.vector_load %arg5[%swap3A_260, %swap3A_261] {strides = array<i32>} : memref<10x5776xf32, #tpu.memory_space<vmem>>, vector<16xf32>,
        tpu.vector_store %arg5[%swap3A_260, %swap3A_261], %mul3A_258 {strides = array<i32>} : memref<10x5776xf32, #tpu.memory_space<vmem>>, vector<16xf32>,
        %max3A_263 = arith.constant -3.000000e+01 : f32
        %max3A_264 = vector.broadcast %max3A_263 : f32 to vector<16xf32>
        %max3A_265 = arith.maximumf %get3A_127, %max3A_264 : vector<16xf32>
        %neg3A_266 = arith.constant 0.000000e+00 : f32
        %neg3A_267 = vector.broadcast %neg3A_266 : f32 to vector<16xf32>
        %neg3A_268 = arith.subf %neg3A_267, %max3A_265 : vector<16xf32>
        %exp3A_269 = math.exp %neg3A_268 : vector<16xf32>
        %add3A_270 = arith.constant 1.000000e+00 : f32
        %add3A_271 = vector.broadcast %add3A_270 : f32 to vector<16xf32>
        %add3A_272 = arith.addf %add3A_271, %exp3A_269 : vector<16xf32>
        %bitcast3A_273 = vector.bitcast %add3A_272 : vector<16xf32> to vector<16xi32>
        %sub3A_274 = arith.constant 2129859011 : i32
        %sub3A_275 = vector.broadcast %sub3A_274 : i32 to vector<16xi32>
        %sub3A_276 = arith.subi %sub3A_275, %bitcast3A_273 : vector<16xi32>
        %bitcast3A_277 = vector.bitcast %sub3A_276 : vector<16xi32> to vector<16xf32>
        %mul3A_278 = arith.mulf %add3A_272, %bitcast3A_277 : vector<16xf32>
        %sub3A_279 = arith.constant 2.000000e+00 : f32
        %sub3A_280 = vector.broadcast %sub3A_279 : f32 to vector<16xf32>
        %sub3A_281 = arith.subf %sub3A_280, %mul3A_278 : vector<16xf32>
        %mul3A_282 = arith.mulf %bitcast3A_277, %sub3A_281 : vector<16xf32>
        %mul3A_283 = arith.mulf %add3A_272, %mul3A_282 : vector<16xf32>
        %sub3A_284 = arith.constant 2.000000e+00 : f32
        %sub3A_285 = vector.broadcast %sub3A_284 : f32 to vector<16xf32>
        %sub3A_286 = arith.subf %sub3A_285, %mul3A_283 : vector<16xf32>
        %mul3A_287 = arith.mulf %mul3A_282, %sub3A_286 : vector<16xf32>
        %mul3A_288 = arith.mulf %add3A_272, %mul3A_287 : vector<16xf32>
        %sub3A_289 = arith.constant 2.000000e+00 : f32
        %sub3A_290 = vector.broadcast %sub3A_289 : f32 to vector<16xf32>
        %sub3A_291 = arith.subf %sub3A_290, %mul3A_288 : vector<16xf32>
        %mul3A_292 = arith.mulf %mul3A_287, %sub3A_291 : vector<16xf32>
        %swap3A_293 = arith.constant 7 : i32
        %swap3A_294 = arith.index_cast %swap3A_293 : i32 to index
        %swap3A_295 = arith.index_cast %scan3A_96 : i32 to index
        %swap3A_296 = tpu.vector_load %arg5[%swap3A_294, %swap3A_295] {strides = array<i32>} : memref<10x5776xf32, #tpu.memory_space<vmem>>, vector<16xf32>,
        tpu.vector_store %arg5[%swap3A_294, %swap3A_295], %mul3A_292 {strides = array<i32>} : memref<10x5776xf32, #tpu.memory_space<vmem>>, vector<16xf32>,
        %max3A_297 = arith.constant -3.000000e+01 : f32
        %max3A_298 = vector.broadcast %max3A_297 : f32 to vector<16xf32>
        %max3A_299 = arith.maximumf %get3A_131, %max3A_298 : vector<16xf32>
        %neg3A_300 = arith.constant 0.000000e+00 : f32
        %neg3A_301 = vector.broadcast %neg3A_300 : f32 to vector<16xf32>
        %neg3A_302 = arith.subf %neg3A_301, %max3A_299 : vector<16xf32>
        %exp3A_303 = math.exp %neg3A_302 : vector<16xf32>
        %add3A_304 = arith.constant 1.000000e+00 : f32
        %add3A_305 = vector.broadcast %add3A_304 : f32 to vector<16xf32>
        %add3A_306 = arith.addf %add3A_305, %exp3A_303 : vector<16xf32>
        %bitcast3A_307 = vector.bitcast %add3A_306 : vector<16xf32> to vector<16xi32>
        %sub3A_308 = arith.constant 2129859011 : i32
        %sub3A_309 = vector.broadcast %sub3A_308 : i32 to vector<16xi32>
        %sub3A_310 = arith.subi %sub3A_309, %bitcast3A_307 : vector<16xi32>
        %bitcast3A_311 = vector.bitcast %sub3A_310 : vector<16xi32> to vector<16xf32>
        %mul3A_312 = arith.mulf %add3A_306, %bitcast3A_311 : vector<16xf32>
        %sub3A_313 = arith.constant 2.000000e+00 : f32
        %sub3A_314 = vector.broadcast %sub3A_313 : f32 to vector<16xf32>
        %sub3A_315 = arith.subf %sub3A_314, %mul3A_312 : vector<16xf32>
        %mul3A_316 = arith.mulf %bitcast3A_311, %sub3A_315 : vector<16xf32>
        %mul3A_317 = arith.mulf %add3A_306, %mul3A_316 : vector<16xf32>
        %sub3A_318 = arith.constant 2.000000e+00 : f32
        %sub3A_319 = vector.broadcast %sub3A_318 : f32 to vector<16xf32>
        %sub3A_320 = arith.subf %sub3A_319, %mul3A_317 : vector<16xf32>
        %mul3A_321 = arith.mulf %mul3A_316, %sub3A_320 : vector<16xf32>
        %mul3A_322 = arith.mulf %add3A_306, %mul3A_321 : vector<16xf32>
        %sub3A_323 = arith.constant 2.000000e+00 : f32
        %sub3A_324 = vector.broadcast %sub3A_323 : f32 to vector<16xf32>
        %sub3A_325 = arith.subf %sub3A_324, %mul3A_322 : vector<16xf32>
        %mul3A_326 = arith.mulf %mul3A_321, %sub3A_325 : vector<16xf32>
        %swap3A_327 = arith.constant 8 : i32
        %swap3A_328 = arith.index_cast %swap3A_327 : i32 to index
        %swap3A_329 = arith.index_cast %scan3A_96 : i32 to index
        %swap3A_330 = tpu.vector_load %arg5[%swap3A_328, %swap3A_329] {strides = array<i32>} : memref<10x5776xf32, #tpu.memory_space<vmem>>, vector<16xf32>,
        tpu.vector_store %arg5[%swap3A_328, %swap3A_329], %mul3A_326 {strides = array<i32>} : memref<10x5776xf32, #tpu.memory_space<vmem>>, vector<16xf32>,
        %max3A_331 = arith.constant -3.000000e+01 : f32
        %max3A_332 = vector.broadcast %max3A_331 : f32 to vector<16xf32>
        %max3A_333 = arith.maximumf %get3A_135, %max3A_332 : vector<16xf32>
        %neg3A_334 = arith.constant 0.000000e+00 : f32
        %neg3A_335 = vector.broadcast %neg3A_334 : f32 to vector<16xf32>
        %neg3A_336 = arith.subf %neg3A_335, %max3A_333 : vector<16xf32>
        %exp3A_337 = math.exp %neg3A_336 : vector<16xf32>
        %add3A_338 = arith.constant 1.000000e+00 : f32
        %add3A_339 = vector.broadcast %add3A_338 : f32 to vector<16xf32>
        %add3A_340 = arith.addf %add3A_339, %exp3A_337 : vector<16xf32>
        %bitcast3A_341 = vector.bitcast %add3A_340 : vector<16xf32> to vector<16xi32>
        %sub3A_342 = arith.constant 2129859011 : i32
        %sub3A_343 = vector.broadcast %sub3A_342 : i32 to vector<16xi32>
        %sub3A_344 = arith.subi %sub3A_343, %bitcast3A_341 : vector<16xi32>
        %bitcast3A_345 = vector.bitcast %sub3A_344 : vector<16xi32> to vector<16xf32>
        %mul3A_346 = arith.mulf %add3A_340, %bitcast3A_345 : vector<16xf32>
        %sub3A_347 = arith.constant 2.000000e+00 : f32
        %sub3A_348 = vector.broadcast %sub3A_347 : f32 to vector<16xf32>
        %sub3A_349 = arith.subf %sub3A_348, %mul3A_346 : vector<16xf32>
        %mul3A_350 = arith.mulf %bitcast3A_345, %sub3A_349 : vector<16xf32>
        %mul3A_351 = arith.mulf %add3A_340, %mul3A_350 : vector<16xf32>
        %sub3A_352 = arith.constant 2.000000e+00 : f32
        %sub3A_353 = vector.broadcast %sub3A_352 : f32 to vector<16xf32>
        %sub3A_354 = arith.subf %sub3A_353, %mul3A_351 : vector<16xf32>
        %mul3A_355 = arith.mulf %mul3A_350, %sub3A_354 : vector<16xf32>
        %mul3A_356 = arith.mulf %add3A_340, %mul3A_355 : vector<16xf32>
        %sub3A_357 = arith.constant 2.000000e+00 : f32
        %sub3A_358 = vector.broadcast %sub3A_357 : f32 to vector<16xf32>
        %sub3A_359 = arith.subf %sub3A_358, %mul3A_356 : vector<16xf32>
        %mul3A_360 = arith.mulf %mul3A_355, %sub3A_359 : vector<16xf32>
        %swap3A_361 = arith.constant 9 : i32
        %swap3A_362 = arith.index_cast %swap3A_361 : i32 to index
        %swap3A_363 = arith.index_cast %scan3A_96 : i32 to index
        %swap3A_364 = tpu.vector_load %arg5[%swap3A_362, %swap3A_363] {strides = array<i32>} : memref<10x5776xf32, #tpu.memory_space<vmem>>, vector<16xf32>,
        tpu.vector_store %arg5[%swap3A_362, %swap3A_363], %mul3A_360 {strides = array<i32>} : memref<10x5776xf32, #tpu.memory_space<vmem>>, vector<16xf32>,
        %add3A_365 = arith.constant 1.600000e+01 : f32
        %add3A_366 = vector.broadcast %add3A_365 : f32 to vector<16xf32>
        %add3A_367 = arith.addf %scan3A_94, %add3A_366 : vector<16xf32>
        %ge3A = arith.constant 1.520000e+02 : f32
        %ge3A_368 = vector.broadcast %ge3A : f32 to vector<16xf32>
        %ge3A_369 = arith.cmpf oge, %add3A_367, %ge3A_368 : vector<16xf32>
        %sub3A_370 = arith.constant 1.520000e+02 : f32
        %sub3A_371 = vector.broadcast %sub3A_370 : f32 to vector<16xf32>
        %sub3A_372 = arith.subf %add3A_367, %sub3A_371 : vector<16xf32>
        %select_n3A_373 = arith.select %ge3A_369, %sub3A_372, %add3A_367 : vector<16xi1>, vector<16xf32>
        %add3A_374 = arith.constant 1.000000e+00 : f32
        %add3A_375 = vector.broadcast %add3A_374 : f32 to vector<16xf32>
        %add3A_376 = arith.addf %scan3A_95, %add3A_375 : vector<16xf32>
        %select_n3A_377 = arith.select %ge3A_369, %add3A_376, %scan3A_95 : vector<16xi1>, vector<16xf32>
        %add3A_378 = arith.constant 16 : i32
        %add3A_379 = arith.addi %scan3A_96, %add3A_378 : i32
        scf.yield %select_n3A_373, %select_n3A_377, %add3A_379 : vector<16xf32>, vector<16xf32>, i32
      }
      %scan3A_89 = arith.constant 361 : i32
      %mul3A_90 = arith.constant 23104 : i32
      %mul3A_91 = arith.muli %select_n3A, %mul3A_90 : i32
      %add3A_92 = arith.addi %mul3A_91, %mul3A_57 : i32
      "tpu.region"() ({
        %run_scoped3A = tpu.sem_alloc : memref<!tpu.dma_semaphore, #tpu.memory_space<semaphore_mem>>
        %dma_start3A = arith.constant 0 : i32
        %dma_start3A_93 = tpu.memref_slice %arg3[%dma_start3A, %add3A_92] : memref<10x1108992xf32, #tpu.memory_space<hbm>> -> memref<10x5776xf32, #tpu.memory_space<hbm>>
        %dma_start3A_94 = arith.constant 0 : i32
        %dma_start3A_95 = tpu.memref_slice %arg3[%dma_start3A_94, %add3A_92] : memref<10x1108992xf32, #tpu.memory_space<hbm>> -> memref<10x5776xf32, #tpu.memory_space<hbm>>
        tpu.enqueue_dma source(%arg5 : memref<10x5776xf32, #tpu.memory_space<vmem>>) target(%dma_start3A_95 : memref<10x5776xf32, #tpu.memory_space<hbm>>) target_semaphore(%run_scoped3A : memref<!tpu.dma_semaphore, #tpu.memory_space<semaphore_mem>>)
        %dma_wait3A = arith.constant 0 : i32
        %dma_wait3A_96 = tpu.memref_slice %arg3[%dma_wait3A, %add3A_92] : memref<10x1108992xf32, #tpu.memory_space<hbm>> -> memref<10x5776xf32, #tpu.memory_space<hbm>>
        %dma_wait3A_97 = arith.constant 0 : i32
        %dma_wait3A_98 = tpu.memref_slice %arg3[%dma_wait3A_97, %add3A_92] : memref<10x1108992xf32, #tpu.memory_space<hbm>> -> memref<10x5776xf32, #tpu.memory_space<hbm>>
        tpu.wait_dma2 semaphore(%run_scoped3A : memref<!tpu.dma_semaphore, #tpu.memory_space<semaphore_mem>>) src(%arg5 : memref<10x5776xf32, #tpu.memory_space<vmem>>) dst(%dma_wait3A_98 : memref<10x5776xf32, #tpu.memory_space<hbm>>)
        tpu.yield
      }) : () -> ()
    }
    %scan3A_5 = arith.constant 6 : i32
    return
  }
}

</mosaic_0001>

<sc_bundles>
// kernel: kernel.3.cloned.1.call-start
scs
__scs_entry_jumppad:
0x0: {  	(pc) =	sbr.rel $0x88, $3  }
0x1: {  	(tag) =	ssettag $0x0;
	lr =	simm.s32 $0x1  }
0x2: {  	[smem:$0x3FA0] =	sst lr;
	_ =	strace $0xD0000000  }
0x3: {  	_ = 	snop  }
0x4: {  	_ = 	snop  }
0x5: {  	_ = 	snop  }
0x6: {  	_ = 	snop  }
0x7: {  	_ = 	snop  }
__scs_overlays_trampoline_lowered:
0x8: {  	[smem:$0x3FAF] =	sst s0  }
0x9: {  	[smem:$0x3FB0] =	sst s1  }
0xa: {  	[smem:$0x3FB1] =	sst s2  }
0xb: {  	[smem:$0x3FB2] =	sst s3  }
0xc: {  	[smem:$0x3FB3] =	sst s4  }
0xd: {  	[smem:$0x3FB4] =	sst s5  }
0xe: {  	[smem:$0x3FB5] =	sst s6  }
0xf: {  	[smem:$0x3FB6] =	sst s7  }
0x10: {  	[smem:$0x3FB7] =	sst s8  }
0x11: {  	[smem:$0x3FB8] =	sst s9;
	s0 =	simm.s32 @!p0 $0x0  }
0x12: {  	s1 =	sld [smem:$0x3F9E];
	s0 =	simm.s32 @p0 $0x1  }
0x13: {  	[smem:$0x3FB9] =	sst s0;
	s0 =	simm.s32 @!p1 $0x0  }
0x14: {  	s2 =	sld [smem:$0x3F9D];
	s0 =	simm.s32 @p1 $0x1  }
0x15: {  	[smem:$0x3FBA] =	sst s0;
	s0 =	simm.s32 @!p2 $0x0  }
0x16: {  	s3 =	sld [smem:$0x3FDB];
	s0 =	simm.s32 @p2 $0x1  }
0x17: {  	s4 =	simm.s32 $0x1BF5;
	[smem:$0x3FBC] =	sst s0  }
0x18: {  	s0 =	sld [smem:$0x3F9F];
	_ =	swait.ge [sflag:s4], $0x0  }
0x19: {  	s7 =	sld [smem:$0x3FA0]  }
0x1a: {  	s8 =	sadd.s32 $0xFFFFE003, lr  }
0x1b: {  	s9 =	sadd.s32 $0xFFFFFEF7, lr;
	s5 =	simm.s32 $0xFFFFFFFF;
	p2 =	slt.u32 s8, $0xFFFFF086  }
0x1c: {  	p1 =	slt.u32 s9, $0xF7A;
	s5 =	simm.s32 @!p2 $0x0  }
0x1d: {  	s5 =	simm.s32 @p1 $0x1;
	p0 =	seq.s32 s7, s2  }
0x1e: {  	s7 =	smul.u32 @!p0 $0xF7A, s2;
	p2 =	seq.s32 @!p0 s5, $0x0  }
0x1f: {  	s9 =	smul.u32 $0xF7A, s1;
	s8 =	simm.s32 @!p0 $0x1BF5;
	p2 =	por !p2, p0  }
0x20: {  	[sflag:s8] =	ssyncset.s32 @!p0 $0xFFFFF086;
	s6 =	sadd.s32 @!p0 s3, s7;
	s7 =	simm.s32 @!p0 $0x108  }
0x21: {  	s3 =	sadd.s32 s3, s9;
	s6 =	sadd.s32 @!p0 $0x88, s6;
	s7 =	simm.s32 @p2 $0x1082  }
0x22: {  	[simem:s7], [sflag:s8] =	dma.local @!p0 [hbm:s6], $0xF7A  }
0x23: {  	s9 =	sor.u32 $0xD0000000, s2;
	s6 =	simm.s32 $0x108;
	_ =	swait.ge @!p0 [sflag:s8], $0x0  }
0x24: {  	s3 =	sadd.s32 $0x88, s3;
	s6 =	simm.s32 @!p1 $0x1082;
	[sflag:s4] =	ssyncset.s32 $0xFFFFF086  }
0x25: {  	[simem:s6], [sflag:s4] =	dma.local [hbm:s3], $0xF7A  }
0x26: {  	[smem:$0x3FA0] =	sst s1;
	(tag) =	ssettag s2;
	_ =	strace s9  }
0x27: {  	s1 =	sld [smem:$0x3FB0]  }
0x28: {  	s2 =	sld [smem:$0x3FB1]  }
0x29: {  	s4 =	sld [smem:$0x3FB3]  }
0x2a: {  	p0 =	seq.s32 s5, $0x0;
	s5 =	sld [smem:$0x3FB4]  }
0x2b: {  	s6 =	sld [smem:$0x3FB5]  }
0x2c: {  	s7 =	sld [smem:$0x3FB6]  }
0x2d: {  	s3 =	simm.s32 $0x108;
	s8 =	sld [smem:$0x3FB7]  }
0x2e: {  	s3 =	simm.s32 @!p0 $0x1082;
	s9 =	sld [smem:$0x3FB8]  }
0x2f: {  	lr =	sadd.s32 s0, s3;
	s0 =	sld [smem:$0x3FAF]  }
0x30: {  	s3 =	sld [smem:$0x3FB2]  }
0x31: {  	[smem:$0x3FBB] =	sst s10  }
0x32: {  	s10 =	sld [smem:$0x3FB9];
	_ =	sdelay $0x3  }
0x33: {  	p0 =	seq.s32 s10, $0x1;
	s10 =	sld [smem:$0x3FBB];
	_ =	sdelay $0x3  }
0x34: {  	[smem:$0x3FBB] =	sst s10  }
0x35: {  	s10 =	sld [smem:$0x3FBA];
	_ =	sdelay $0x3  }
0x36: {  	p1 =	seq.s32 s10, $0x1;
	s10 =	sld [smem:$0x3FBB];
	_ =	sdelay $0x3  }
0x37: {  	[smem:$0x3FBB] =	sst s10  }
0x38: {  	s10 =	sld [smem:$0x3FBC]  }
0x39: {  	_ = 	snop;
	(pc) =	sbr.ind lr, $3  }
0x3a: {  	_ = 	snop  }
0x3b: {  	_ = 	snop  }
0x3c: {  	p2 =	seq.s32 s10, $0x1;
	s10 =	sld [smem:$0x3FBB]  }
0x3d: {  	_ =	shalt  }
0x3e: {  	_ =	shalt  }
0x3f: {  	_ =	shalt  }
0x40: {  	_ =	shalt  }
0x41: {  	_ =	shalt  }
0x42: {  	_ =	shalt  }
0x43: {  	_ =	shalt  }
0x44: {  	_ =	shalt  }
0x45: {  	_ =	shalt  }
0x46: {  	_ =	shalt  }
0x47: {  	_ =	shalt  }
0x48: {  	_ =	shalt  }
0x49: {  	_ =	shalt  }
0x4a: {  	_ =	shalt  }
0x4b: {  	_ =	shalt  }
0x4c: {  	_ =	shalt  }
0x4d: {  	_ =	shalt  }
0x4e: {  	_ =	shalt  }
0x4f: {  	_ =	shalt  }
0x50: {  	_ =	shalt  }
0x51: {  	_ =	shalt  }
0x52: {  	_ =	shalt  }
0x53: {  	_ =	shalt  }
0x54: {  	_ =	shalt  }
0x55: {  	_ =	shalt  }
0x56: {  	_ =	shalt  }
0x57: {  	_ =	shalt  }
0x58: {  	_ =	shalt  }
0x59: {  	_ =	shalt  }
0x5a: {  	_ =	shalt  }
0x5b: {  	_ =	shalt  }
0x5c: {  	_ =	shalt  }
0x5d: {  	_ =	shalt  }
0x5e: {  	_ =	shalt  }
0x5f: {  	_ =	shalt  }
0x60: {  	_ =	shalt  }
0x61: {  	_ =	shalt  }
0x62: {  	_ =	shalt  }
0x63: {  	_ =	shalt  }
0x64: {  	_ =	shalt  }
0x65: {  	_ =	shalt  }
0x66: {  	_ =	shalt  }
0x67: {  	_ =	shalt  }
0x68: {  	_ =	shalt  }
0x69: {  	_ =	shalt  }
0x6a: {  	_ =	shalt  }
0x6b: {  	_ =	shalt  }
0x6c: {  	_ =	shalt  }
0x6d: {  	_ =	shalt  }
0x6e: {  	_ =	shalt  }
0x6f: {  	_ =	shalt  }
0x70: {  	_ =	shalt  }
0x71: {  	_ =	shalt  }
0x72: {  	_ =	shalt  }
0x73: {  	_ =	shalt  }
0x74: {  	_ =	shalt  }
0x75: {  	_ =	shalt  }
0x76: {  	_ =	shalt  }
0x77: {  	_ =	shalt  }
0x78: {  	_ =	shalt  }
0x79: {  	_ =	shalt  }
0x7a: {  	_ =	shalt  }
0x7b: {  	_ =	shalt  }
0x7c: {  	_ =	shalt  }
0x7d: {  	_ =	shalt  }
0x7e: {  	_ =	shalt  }
0x7f: {  	_ =	shalt  }
0x80: {  	_ =	shalt  }
0x81: {  	_ =	shalt  }
0x82: {  	_ =	shalt  }
0x83: {  	_ =	shalt  }
0x84: {  	_ =	shalt  }
0x85: {  	_ =	shalt  }
0x86: {  	_ =	shalt  }
0x87: {  	_ =	shalt  }
.Lfunc_end0:
.L_simem_size_0:
called_computation_lowered:
.L_overlay_start_0:
0x88: {  	s2 =	sld [smem:$0x3FD9]  }
0x89: {  	s3 =	sld [smem:$0x3FFE];
	_ =	sdelay $0x1  }
0x8a: {  	s1 =	srdreg.scid  }
0x8b: {  	s0 =	sand.u32 $0x1, s1  }
0x8c: {  	s17 =	sshll.u32 s0, $0xA;
	s2 =	sadd.s32 s3, s2  }
0x8d: {  	s2 =	sadd.s32 s2, s17  }
0x8e: {  	[smem:$0x3FC7] =	sst s2  }
0x8f: {  	_ = 	snop  }
0x90: {  	s2 =	sld [smem:$0x3FD0];
	(tm) =	ssettm $0x1  }
0x91: {  	s18 =	sld [smem:$0x3FFB];
	_ =	sdelay $0x3  }
0x92: {  	_ =	strace s18  }
0x93: {  	s3 =	sld [smem:$0x3FFC];
	_ =	sdelay $0x3  }
0x94: {  	_ =	strace s3  }
0x95: {  	s3 =	sld [smem:$0x3FFD];
	_ =	sdelay $0x3  }
0x96: {  	_ =	strace s3  }
0x97: {  	_ =	strace $0x8FFFFFFF  }
0x98: {  	s19 =	sld [smem:$0x3FDB];
	_ =	sdelay $0x1  }
0x99: {  	s4 =	simm.s32 $_scs_section_size  }
0x9a: {  	s5 =	simm.s32 $_size__tile_overlayer_lowered;
	s6 =	simm.s32 $_tile_overlayer_lowered  }
0x9b: {  	s22 =	simm.s32 $0x1BFF;
	s21 =	sshll.u32 s6, $0x1;
	s3 =	sadd.s32 s4, s19  }
0x9c: {  	s7 =	simm.s32 $0x0;
	s20 =	sshll.u32 s5, $0x1;
	s5 =	sadd.s32 s21, s3  }
0x9d: {  	[timem:s7], [sflag:s22] =	dma.local [hbm:s5], s20  }
0x9e: {  	_ =	swait.ge [sflag:s22], s20  }
0x9f: {  	s4 =	ssub.s32 $0x0, s20;
	[sflag:s22] =	ssyncset.done $0x0  }
0xa0: {  	[sflag:s22] =	ssyncadd.s32 s4;
	_ =	sdelay $0x1  }
0xa1: {  	s23 =	simm.s32 $0x1B8B  }
0xa2: {  	_ =	swait.ge [sflag:s23], $0x1  }
0xa3: {  	[sflag:s23] =	ssyncset.done $0x0  }
0xa4: {  	s25 =	simm.s32 $0x1B8E;
	s24 =	sld [smem:$0x3FFE];
	[sflag:s23] =	ssyncadd.s32 $0xFFFFFFFF  }
0xa5: {  	s26 =	simm.s32 $execute0_lowered;
	[smem:$0x3FD2] =	sst s25  }
0xa6: {  	s5 =	sshll.u32 s26, $0x1;
	_ =	strace $0x80000046;
	[dreg:$0x1] =	wrdreg $0xFFFFFFFF  }
0xa7: {  	s28 =	simm.s32 $_size_execute0_lowered;
	s3 =	sadd.s32 s3, s5;
	[dreg:$0x0] =	wrdreg $0x0  }
0xa8: {  	s5 =	sshll.u32 s28, $0x1;
	[dreg:$0x2] =	wrdreg s3  }
0xa9: {  	[dreg:$0x3] =	wrdreg s5  }
0xaa: {  	[dreg:$0x4] =	wrdreg $0xC0  }
0xab: {  	_ =	task [dreg:s7], $0x5FFFF  }
0xac: {  	[dreg:$0x1] =	wrdreg $0xFFFFFFFF  }
0xad: {  	[dreg:$0x0] =	wrdreg $0x60  }
0xae: {  	[dreg:$0x2] =	wrdreg s2  }
0xaf: {  	[dreg:$0x3] =	wrdreg s24  }
0xb0: {  	[dreg:$0x4] =	wrdreg $0x9  }
0xb1: {  	_ =	task.clear_ibuf [dreg:s7], $0x5FFFF;
	_ =	strace $0x90000046  }
0xb2: {  	s29 =	simm.s32 $0x9;
	_ =	strace $0x80000048  }
0xb3: {  	_ =	swait.ge [sflag:s29], $0x1  }
0xb4: {  	[sflag:s29] =	ssyncadd.s32 $0xFFFFFFFF  }
0xb5: {  	_ =	strace $0x90000048  }
0xb6: {  	_ =	sfence  }
0xb7: {  	s30 =	sld [smem:$0x0];
	_ =	sdelay $0x2  }
0xb8: {  	s31 =	sshll.u32 s1, $0xD;
	s1 =	sshrl.u32 s1, $0x2  }
0xb9: {  	s3 =	sand.u32 $0x4000, s31;
	s1 =	sadd.s32 s1, s30  }
0xba: {  	s0 =	sor.u32 s3, s0;
	s1 =	sshll.u32 s1, $0x11  }
0xbb: {  	s0 =	sor.u32 s1, s0  }
0xbc: {  	s0 =	sadd.s32 $0x8F2B, s0  }
0xbd: {  	[sflag:s0] =	ssyncadd.remote.s32 $0x1  }
0xbe: {  	_ =	sfence.sel $0xFFFF  }
0xbf: {  	[dreg:$0x0] =	wrdreg $0xFFFFFFFF;
	(pc) =	sbr.abs _section_cstart, $3  }
0xc0: {  	[dreg:$0x1] =	wrdreg $0xFFFFFFFF  }
0xc1: {  	_ =	task.clear_ibuf [dreg:s7], $0x2FFFF;
	_ =	strace $0x9FFFFFFF  }
0xc2: {  	(tm) =	ssettm $0x7FFFFFFF  }
0xc3: {  	_ =	shalt  }
tec
execute0_lowered:
.L_overlay_start_1:
0x0: {  	(tag) =	ssettag $0x1  }
0x1: {  	v0 =	vimm.f32 $1.500000000e+01;
	vm0 =	vcmask $0x300  }
0x2: {  	vm14 =	vcmask $0x704;
	v0 =	vsel vm0, $0x0, v0  }
0x3: {  	vm15 =	vcmask $0xB08;
	v0 =	vsel vm14, $0x3F800000, v0  }
0x4: {  	vm4 =	vcmask $0xF0C;
	v0 =	vsel vm15, $0x40000000, v0  }
0x5: {  	vm5 =	vcmask $0x1310;
	v0 =	vsel vm4, $0x40400000, v0  }
0x6: {  	vm6 =	vcmask $0x1714;
	v0 =	vsel vm5, $0x40800000, v0  }
0x7: {  	vm7 =	vcmask $0x1B18;
	v0 =	vsel vm6, $0x40A00000, v0  }
0x8: {  	s1 =	rddreg [dreg:$0x0];
	vm8 =	vcmask $0x1F1C;
	v0 =	vsel vm7, $0x40C00000, v0  }
0x9: {  	s4 =	rddreg [dreg:$0x1];
	vm9 =	vcmask $0x2320;
	v0 =	vsel vm8, $0x40E00000, v0  }
0xa: {  	s0 =	rddreg [dreg:$0x2];
	s5 =	srdreg.scid;
	vm10 =	vcmask $0x2724;
	v0 =	vsel vm9, $0x41000000, v0  }
0xb: {  	s3 =	simm.s32 $0x0;
	s2 =	stileid.u32;
	vm11 =	vcmask $0x2B28;
	s9 =	simm.s32 $0x1;
	v0 =	vsel vm10, $0x41100000, v0  }
0xc: {  	vm12 =	vcmask $0x2F2C;
	s10 =	simm.s32 $0x10EC00;
	s11 =	simm.s32 $0xE1A0;
	s5 =	sand.u32 $0x1, s5;
	v0 =	vsel vm11, $0x41200000, v0  }
0xd: {  	vm13 =	vcmask $0x3330;
	[smem:$0x7FF] =	sst s3;
	s7 =	sshll.u32 s2, $0x1;
	s6 =	ssub.s32 $0x2, s5;
	v0 =	vsel vm12, $0x41300000, v0  }
0xe: {  	s4 =	sadd.s32 $0x400, s4;
	_ =	strace $0x80000047;
	vm14 =	vcmask $0x3734;
	s8 =	sshrl.u32 s6, $0x1;
	v0 =	vsel vm13, $0x41400000, v0  }
0xf: {  	s5 =	sor.u32 s5, s7;
	s7 =	simm.s32 $0x1690;
	vm15 =	vcmask $0x3B38;
	s6 =	ssub.s32 s6, s8;
	v0 =	vsel vm14, $0x41500000, v0  }
0x10: {  	s5 =	smul.u32 $0x6, s5;
	s8 =	simm.s32 $0x5A40;
	s6 =	smax.u32 s6, $0x1;
	v0 =	vsel vm15, $0x41600000, v0  }
.LBB2_1:
0x11: {  	s12 =	simm.s32 $0x0  }
.LBB2_2:
0x12: {  	s13 =	sadd.s32 s5, s12  }
0x13: {  	s14 =	smulhi.u32 $0xAAAAAAAB, s13;
	_ =	sdelay $0x1  }
0x14: {  	s15 =	sshrl.u32 s14, $0x3  }
0x15: {  	s16 =	sand.u32 $0x3, s13;
	s17 =	smul.u32 $0xFFFFFFFD, s15  }
0x16: {  	s14 =	sshrl.u32 s13, $0x2;
	s13 =	smul.u32 $0x1690, s16  }
0x17: {  	s15 =	smul.u32 $0xA9380, s15;
	s17 =	sadd.s32 s14, s17  }
0x18: {  	s18 =	smul.u32 $0x38680, s17  }
0x19: {  	s15 =	sadd.s32 s15, s13  }
0x1a: {  	s15 =	sadd.s32 s18, s15  }
0x1b: {  	s15 =	sshrl.u32 s15, $0x3  }
0x1c: {  	s29 =	simm.s32 $0x0;
	s15 =	sadd.s32 s1, s15  }
0x1d: {  	[tilespmem:s29], [sflag:$0x1] =	stream.strided.gather [hbm4b:s15+s7], $0xE1A0, s8, s7, $0x38;
	[tilespmem:$0x1C340] =	vst v63  }
0x1e: {  	_ =	swait.ge [sflag:s9], $0xE1A0  }
0x1f: {  	[sflag:s9] =	ssyncset.done $0x0  }
0x20: {  	s15 =	simm.s32 $0x0;
	[sflag:s9] =	ssyncadd.s32 $0xFFFF1E60  }
0x21: {  	v1 =	vld [tilespmem:s15+$0xB480]  }
0x22: {  	v2 =	vld [tilespmem:s15+$0xCB10];
	_ =	sdelay $0x1  }
0x23: {  	v3 =	vld [tilespmem:s15+$0x1690];
	_ =	sdelay $0x1  }
0x24: {  	v1 =	vmax.f32 v1, $-3.000000000e+01  }
0x25: {  	v4 =	vld [tilespmem:s15+$0x8760];
	v2 =	vmax.f32 v2, $-3.000000000e+01;
	v1 =	vsub.f32 $0.0e+00, v1  }
0x26: {  	v5 =	vld [tilespmem:s15+$0x9DF0];
	v2 =	vsub.f32 $0.0e+00, v2  }
0x27: {  	v6 =	vld [tilespmem:s15+$0x0];
	v3 =	vmax.f32 v3, $-3.000000000e+01;
	v1 =	vmul.f32 $1.442695020e+00, v1  }
0x28: {  	v3 =	vsub.f32 $0.0e+00, v3;
	v2 =	vmul.f32 $1.442695020e+00, v2  }
0x29: {  	(erf) = vpow2.f32 v1;
	v1 =	vld [tilespmem:s15+$0x43B0]  }
0x2a: {  	v3 =	vmul.f32 $1.442695020e+00, v3;
	(erf) = vpow2.f32 v2;
	v2 =	vmax.f32 v4, $-3.000000000e+01  }
0x2b: {  	v4 =	vmax.f32 v5, $-3.000000000e+01;
	v2 =	vsub.f32 $0.0e+00, v2  }
0x2c: {  	v5 =	vld [tilespmem:s15+$0x2D20];
	v4 =	vsub.f32 $0.0e+00, v4;
	(erf) = vpow2.f32 v3;
	v3 =	vmax.f32 v6, $-3.000000000e+01  }
0x2d: {  	v3 =	vsub.f32 $0.0e+00, v3;
	v2 =	vmul.f32 $1.442695020e+00, v2  }
0x2e: {  	v4 =	vmul.f32 $1.442695020e+00, v4;
	v1 =	vmul.f32 $1.442695020e+00, v1  }
0x2f: {  	(erf) = vpow2.f32 v2;
	v2 =	vmul.f32 $1.442695020e+00, v3  }
0x30: {  	(erf) = vpow2.f32 v4;
	v4 =	vld [tilespmem:s15+$0x5A40]  }
0x31: {  	v3 =	vmul.f32 $1.442695020e+00, v5;
	v5 =	vld [tilespmem:s15+$0x70D0]  }
0x32: {  	(erf) = vpow2.f32 v1;
	v1 =	vpop (erf)  }
0x33: {  	(erf) = vpow2.f32 v2;
	v2 =	vpop (erf);
	v11 =	vadd.f32 $1.000000000e+00, v1  }
0x34: {  	(erf) = vpow2.f32 v3;
	v7 =	vadd.f32 $1.000000000e+00, v2  }
0x35: {  	v1 =	vpop (erf);
	[tilespmem:s15+$0x13BE0] =	vst v4;
	v4 =	vsub.s32 $0x7EF311C3, v11  }
0x36: {  	s30 =	smul.u32 $0x26, s16;
	s16 =	simm.s32 $0x10;
	[tilespmem:s15+$0x15270] =	vst v5;
	v13 =	vadd.f32 $1.000000000e+00, v1;
	v6 =	vsub.s32 $0x7EF311C3, v7;
	v2 =	vmul.f32 v4, v11  }
0x37: {  	s19 =	simm.f32 $1.900000000e+01;
	p0 =	seq.s32 s17, $0x1;
	v9 =	vld [tilespmem:s16+$0x2D20];
	v1 =	vmul.f32 v6, v7  }
0x38: {  	s31 =	scvt.s32.f32 s30;
	p1 =	seq.s32 s17, $0x0;
	s19 =	simm.s32 @!p0 $0x42200000;
	v8 =	vsub.s32 $0x7EF311C3, v13;
	v3 =	vpop (erf);
	v12 =	vsub.f32 $2.000000000e+00, v2  }
0x39: {  	s19 =	simm.s32 @p1 $0x41400000;
	v23 =	vld [tilespmem:s16+$0x8760];
	v14 =	vmul.f32 v8, v13;
	v5 =	vsub.f32 $2.000000000e+00, v1;
	v3 =	vadd.f32 $1.000000000e+00, v3  }
0x3a: {  	v15 =	vld [tilespmem:s16+$0xCB10];
	v2 =	vmov s31;
	v10 =	vpop (erf);
	v1 =	vmov s19;
	v12 =	vmul.f32 v4, v12  }
0x3b: {  	v17 =	vld [tilespmem:s16+$0x43B0];
	v16 =	vpop (erf);
	v14 =	vsub.f32 $2.000000000e+00, v14;
	v18 =	vmul.f32 v6, v5;
	v19 =	vsub.s32 $0x7EF311C3, v3  }
0x3c: {  	v20 =	vld [tilespmem:s16+$0xB480];
	v4 =	vpop (erf);
	v5 =	vadd.f32 $1.000000000e+00, v10;
	v27 =	vmul.f32 $1.442695020e+00, v9;
	v21 =	vmul.f32 v19, v3  }
0x3d: {  	v9 =	vld [tilespmem:s16+$0x0];
	v22 =	vpop (erf);
	v6 =	vadd.f32 $1.000000000e+00, v4;
	v8 =	vmul.f32 v8, v14;
	v29 =	vmul.f32 v12, v11  }
0x3e: {  	v23 =	vmax.f32 v23, $-3.000000000e+01;
	v14 =	vld [tilespmem:s16+$0x1690];
	v10 =	vmul.f32 v18, v7;
	v4 =	vmul.f32 v22, v1  }
0x3f: {  	v22 =	vsub.s32 $0x7EF311C3, v5;
	v21 =	vsub.f32 $2.000000000e+00, v21;
	v25 =	vsub.s32 $0x7EF311C3, v6  }
0x40: {  	v26 =	vmul.f32 v8, v13;
	v24 =	vsub.f32 $2.000000000e+00, v10;
	v28 =	vmul.f32 v25, v6  }
0x41: {  	v10 =	vmul.f32 v19, v21;
	v19 =	vmax.f32 v20, $-3.000000000e+01;
	v21 =	vmul.f32 $1.442695020e+00, v17  }
0x42: {  	v20 =	vld [tilespmem:s16+$0x9DF0];
	v17 =	vmax.f32 v15, $-3.000000000e+01;
	v9 =	vmax.f32 v9, $-3.000000000e+01;
	v18 =	vmul.f32 v24, v18  }
0x43: {  	v14 =	vmax.f32 v14, $-3.000000000e+01;
	v19 =	vsub.f32 $0.0e+00, v19;
	v17 =	vsub.f32 $0.0e+00, v17  }
0x44: {  	v24 =	vmul.f32 v22, v5;
	v9 =	vsub.f32 $0.0e+00, v9;
	v15 =	vmul.f32 v10, v3  }
0x45: {  	v14 =	vsub.f32 $0.0e+00, v14;
	v19 =	vmul.f32 $1.442695020e+00, v19;
	v30 =	vmul.f32 v18, v7  }
0x46: {  	v7 =	vmul.f32 $1.442695020e+00, v17;
	v17 =	vsub.f32 $0.0e+00, v23;
	v9 =	vmul.f32 $1.442695020e+00, v9  }
0x47: {  	s17 =	simm.f32 $3.600000000e+01;
	v20 =	vmax.f32 v20, $-3.000000000e+01;
	(erf) = vpow2.f32 v19;
	v19 =	vsub.f32 $2.000000000e+00, v24  }
0x48: {  	s17 =	simm.s32 @!p0 $0x41E00000;
	v14 =	vmul.f32 $1.442695020e+00, v14;
	(erf) = vpow2.f32 v7;
	v20 =	vsub.f32 $0.0e+00, v20  }
0x49: {  	s17 =	simm.s32 @p1 $0x41800000;
	v23 =	vsub.f32 $2.000000000e+00, v28;
	v17 =	vmul.f32 $1.442695020e+00, v17;
	v22 =	vmul.f32 v22, v19  }
0x4a: {  	v7 =	vmov s17;
	(erf) = vpow2.f32 v14;
	v19 =	vmul.f32 $1.442695020e+00, v20  }
0x4b: {  	v20 =	vsub.f32 $2.000000000e+00, v29;
	(erf) = vpow2.f32 v17;
	v17 =	vmul.f32 v22, v5  }
0x4c: {  	v14 =	vsub.f32 $2.000000000e+00, v26;
	v24 =	vmul.f32 v16, v7;
	v16 =	vsub.f32 $2.000000000e+00, v30  }
0x4d: {  	(erf) = vpow2.f32 v19;
	v26 =	vsub.f32 $2.000000000e+00, v17;
	v17 =	vmul.f32 v20, v12;
	v12 =	vld [tilespmem:s16+$0x5A40]  }
0x4e: {  	v28 =	vmul.f32 v16, v18;
	v18 =	vadd.f32 $1.600000000e+01, v0;
	(erf) = vpow2.f32 v21;
	v21 =	vld [tilespmem:s16+$0x70D0]  }
0x4f: {  	v19 =	vmul.f32 v14, v8;
	v8 =	vadd.f32 $1.000000000e+00, v2;
	(erf) = vpow2.f32 v9  }
0x50: {  	v20 =	vmul.f32 v25, v23;
	vm0 =	vge.f32 v18, $1.520000000e+02;
	v9 =	vpop (erf);
	(erf) = vpow2.f32 v27  }
0x51: {  	v13 =	vmul.f32 v19, v13;
	v27 =	vadd.f32 $-1.520000000e+02, v18;
	v9 =	vadd.f32 $1.000000000e+00, v9;
	v14 =	vpop (erf)  }
0x52: {  	v16 =	vadd.f32 $1.000000000e+00, v14;
	v14 =	vmul.f32 v26, v22;
	[tilespmem:s16+$0x13BE0] =	vst v12;
	v26 =	vmul.f32 v17, v11  }
0x53: {  	v8 =	vsel vm0, v8, v2;
	v25 =	vpop (erf);
	[tilespmem:s16+$0x15270] =	vst v21;
	v11 =	vsel vm0, v27, v18;
	v23 =	vsub.s32 $0x7EF311C3, v9  }
0x54: {  	v12 =	vadd.f32 $1.000000000e+00, v25;
	v21 =	vpop (erf);
	[tilespmem:s15+$0x12550] =	vst v24;
	v24 =	vsub.f32 $2.000000000e+00, v13;
	v29 =	vmul.f32 v23, v9  }
0x55: {  	v13 =	vmovc v0;
	v22 =	vsub.s32 $0x7EF311C3, v16;
	v18 =	vadd.f32 $1.000000000e+00, v21;
	v21 =	vsub.f32 $2.000000000e+00, v26  }
0x56: {  	s17 =	simm.s32 $0x80;
	[tilespmem:s15+$0x1ACB0] =	vst v28;
	v25 =	vsub.s32 $0x7EF311C3, v12;
	v28 =	vmul.f32 v22, v16;
	v26 =	vpop (erf);
	v27 =	vsub.f32 $2.000000000e+00, v29  }
.LBB2_3:
0x57: {  	s18 =	sshra.s32 s17, $0x2;
	p0 =	sne.s32 s17, $0x5A00;
	s17 =	sadd.s32 $0x40, s17;
	v29 =	vmul.f32 v25, v12;
	v30 =	vsub.s32 $0x7EF311C3, v18;
	v31 =	vpop (erf);
	[tilespmem:s15+$0x10EC0] =	vst v4;
	v15 =	vsub.f32 $2.000000000e+00, v15  }
0x58: {  	v32 =	vld [tilespmem:s18+$0x2D20];
	v23 =	vmul.f32 v23, v27;
	v27 =	vsub.f32 $2.000000000e+00, v28;
	v4 =	vpop (erf);
	v28 =	vmul.f32 v20, v6  }
0x59: {  	v35 =	vmul.f32 v30, v18;
	v33 =	vld [tilespmem:s18+$0xCB10];
	v34 =	vadd.f32 $1.000000000e+00, v4;
	v29 =	vsub.f32 $2.000000000e+00, v29;
	v4 =	vpop (erf)  }
0x5a: {  	v26 =	vadd.f32 $1.000000000e+00, v26;
	v36 =	vld [tilespmem:s18+$0x43B0];
	v4 =	vmul.f32 v4, v1;
	v22 =	vmul.f32 v22, v27  }
0x5b: {  	v28 =	vsub.f32 $2.000000000e+00, v28;
	v27 =	vld [tilespmem:s18+$0xB480];
	v25 =	vmul.f32 v25, v29;
	v29 =	vsub.f32 $2.000000000e+00, v35  }
0x5c: {  	v37 =	vsub.s32 $0x7EF311C3, v26;
	v39 =	vmul.f32 v15, v10;
	v35 =	vld [tilespmem:s18+$0x9DF0];
	v38 =	vmul.f32 v22, v16  }
0x5d: {  	v19 =	vmul.f32 v24, v19;
	v40 =	vsub.s32 $0x7EF311C3, v34;
	v15 =	vld [tilespmem:s18+$0x8760];
	v10 =	vmul.f32 v25, v12  }
0x5e: {  	v20 =	vmul.f32 v28, v20;
	v32 =	vmul.f32 $1.442695020e+00, v32;
	v24 =	vld [tilespmem:s18+$0x1690];
	v38 =	vsub.f32 $2.000000000e+00, v38  }
0x5f: {  	v28 =	vld [tilespmem:s18+$0x0];
	v41 =	vsub.f32 $2.000000000e+00, v10;
	v10 =	vmul.f32 v30, v29;
	v29 =	vmul.f32 v39, v3;
	v3 =	vmovc v18  }
0x60: {  	v17 =	vmul.f32 v21, v17;
	v18 =	vld [tilespmem:s18+$0x5A40];
	v27 =	vmax.f32 v27, $-3.000000000e+01;
	v22 =	vmul.f32 v38, v22  }
0x61: {  	v33 =	vmax.f32 v33, $-3.000000000e+01;
	v30 =	vmul.f32 $1.442695020e+00, v36;
	v36 =	vmul.f32 v20, v6;
	v6 =	vmovc v34;
	v21 =	vld [tilespmem:s18+$0x70D0]  }
0x62: {  	v29 =	vsub.f32 $2.000000000e+00, v29;
	v34 =	vmax.f32 v15, $-3.000000000e+01;
	v15 =	vmul.f32 v10, v3;
	[tilespmem:s15+$0x19620] =	vst v17  }
0x63: {  	v17 =	vmax.f32 v24, $-3.000000000e+01;
	v24 =	vsub.f32 $0.0e+00, v33;
	v33 =	vmul.f32 v37, v26  }
0x64: {  	v38 =	vmul.f32 v40, v6;
	v29 =	vmul.f32 v29, v39;
	v28 =	vmax.f32 v28, $-3.000000000e+01  }
0x65: {  	v16 =	vmul.f32 v22, v16;
	[tilespmem:s18+$0x13BE0] =	vst v18;
	v18 =	vsub.f32 $0.0e+00, v27;
	v27 =	vmul.f32 v23, v9  }
0x66: {  	v19 =	vadd.f32 v19, v2;
	v2 =	vmovc v8;
	v28 =	vsub.f32 $0.0e+00, v28;
	v24 =	vmul.f32 $1.442695020e+00, v24;
	[tilespmem:s15+$0x16900] =	vst v29  }
0x67: {  	v17 =	vsub.f32 $0.0e+00, v17;
	v29 =	vmul.f32 v14, v5;
	v5 =	vmovc v26;
	[tilespmem:s18+$0x15270] =	vst v21;
	v21 =	vsub.f32 $2.000000000e+00, v36  }
0x68: {  	v19 =	vmul.f32 $4.000000000e+00, v19;
	v26 =	vsub.f32 $0.0e+00, v34;
	v18 =	vmul.f32 $1.442695020e+00, v18  }
0x69: {  	v34 =	vmax.f32 v35, $-3.000000000e+01;
	v28 =	vmul.f32 $1.442695020e+00, v28;
	v20 =	vmul.f32 v21, v20  }
0x6a: {  	v21 =	vsub.f32 $0.0e+00, v34;
	(erf) = vpow2.f32 v18;
	v18 =	vsub.f32 $2.000000000e+00, v33;
	[tilespmem:s15+$0xF830] =	vst v19  }
0x6b: {  	v17 =	vmul.f32 $1.442695020e+00, v17;
	v19 =	vsub.f32 $2.000000000e+00, v27;
	(erf) = vpow2.f32 v24  }
0x6c: {  	v24 =	vmul.f32 $1.442695020e+00, v26;
	v26 =	vsub.f32 $2.000000000e+00, v29;
	v18 =	vmul.f32 v37, v18  }
0x6d: {  	v21 =	vmul.f32 $1.442695020e+00, v21;
	(erf) = vpow2.f32 v17;
	v17 =	vadd.f32 v20, v13;
	v13 =	vmovc v11  }
0x6e: {  	v14 =	vmul.f32 v26, v14;
	(erf) = vpow2.f32 v24  }
0x6f: {  	v20 =	vmul.f32 v18, v5;
	v24 =	vmul.f32 $4.000000000e+00, v17  }
0x70: {  	v27 =	vsub.f32 $2.000000000e+00, v16;
	(erf) = vpow2.f32 v21;
	v21 =	vmul.f32 v31, v7;
	[tilespmem:s15+$0x17F90] =	vst v14  }
0x71: {  	v17 =	vmul.f32 v19, v23;
	v14 =	vsub.f32 $2.000000000e+00, v38;
	v26 =	vsub.f32 $2.000000000e+00, v20;
	[tilespmem:s15+$0xE1A0] =	vst v24;
	s15 =	smov.u32 s16;
	s16 =	smov.u32 s18  }
0x72: {  	v22 =	vmul.f32 v27, v22;
	v11 =	vadd.f32 $1.600000000e+01, v11;
	(erf) = vpow2.f32 v30  }
0x73: {  	v19 =	vmul.f32 v41, v25;
	v24 =	vadd.f32 $1.000000000e+00, v8;
	(erf) = vpow2.f32 v28;
	v16 =	vpop (erf)  }
0x74: {  	v25 =	vadd.f32 $1.000000000e+00, v16;
	(erf) = vpow2.f32 v32;
	v16 =	vpop (erf);
	[tilespmem:s15+$0x12550] =	vst v21;
	v21 =	vadd.f32 $-1.520000000e+02, v11  }
0x75: {  	vm0 =	vge.f32 v11, $1.520000000e+02;
	v20 =	vmul.f32 v40, v14;
	v16 =	vadd.f32 $1.000000000e+00, v16;
	[tilespmem:s15+$0x1ACB0] =	vst v22  }
.Ltmp0:
0x76: {  	v14 =	vmul.f32 v26, v18;
	v8 =	vsel vm0, v24, v8;
	v23 =	vsub.s32 $0x7EF311C3, v25;
	v22 =	vpop (erf);
	(pc) =	sbr.rel @p0 .LBB2_3-.Ltmp0, $4  }
0x77: {  	v24 =	vmul.f32 v17, v9;
	v29 =	vadd.f32 $1.000000000e+00, v22;
	v22 =	vsub.s32 $0x7EF311C3, v16;
	v18 =	vpop (erf)  }
0x78: {  	v30 =	vmul.f32 v19, v12;
	v11 =	vsel vm0, v21, v11;
	v9 =	vmovc v25;
	v27 =	vmul.f32 v23, v25  }
0x79: {  	v21 =	vsub.f32 $2.000000000e+00, v24;
	v18 =	vadd.f32 $1.000000000e+00, v18;
	v25 =	vsub.s32 $0x7EF311C3, v29;
	v26 =	vpop (erf)  }
0x7a: {  	v24 =	vsub.f32 $2.000000000e+00, v30;
	v28 =	vmul.f32 v22, v16;
	v27 =	vsub.f32 $2.000000000e+00, v27;
	v12 =	vmovc v29  }
0x7b: {  	v29 =	vmul.f32 v25, v12;
	v30 =	vsub.s32 $0x7EF311C3, v18  }
0x7c: {  	v15 =	vsub.f32 $2.000000000e+00, v15;
	v57 =	vmul.f32 v20, v6;
	v17 =	vmul.f32 v21, v17  }
0x7d: {  	v26 =	vadd.f32 $1.000000000e+00, v26;
	v5 =	vmul.f32 v14, v5;
	v23 =	vmul.f32 v23, v27  }
0x7e: {  	v31 =	vpop (erf);
	v28 =	vsub.f32 $2.000000000e+00, v28;
	v32 =	vmul.f32 v30, v18;
	v19 =	vmul.f32 v24, v19  }
0x7f: {  	v7 =	vmul.f32 v31, v7;
	v55 =	vsub.f32 $2.000000000e+00, v29;
	v29 =	vsub.f32 $2.000000000e+00, v57  }
0x80: {  	v56 =	vpop (erf);
	v10 =	vmul.f32 v15, v10;
	v38 =	vsub.s32 $0x7EF311C3, v26;
	v5 =	vsub.f32 $2.000000000e+00, v5  }
0x81: {  	v22 =	vmul.f32 v22, v28;
	v28 =	vadd.f32 $1.000000000e+00, v56;
	v41 =	vmul.f32 v38, v26  }
0x82: {  	v32 =	vsub.f32 $2.000000000e+00, v32;
	v42 =	vmul.f32 v23, v9;
	v58 =	vmul.f32 v25, v55  }
0x83: {  	v62 =	vmul.f32 v29, v20;
	v3 =	vmul.f32 v10, v3;
	v63 =	vsub.s32 $0x7EF311C3, v28  }
0x84: {  	v5 =	vmul.f32 v5, v14;
	v40 =	vmul.f32 v63, v28  }
0x85: {  	v2 =	vadd.f32 v19, v2;
	v59 =	vmul.f32 v22, v16;
	v36 =	vmul.f32 v30, v32  }
0x86: {  	v43 =	vsub.f32 $2.000000000e+00, v41;
	v37 =	vmul.f32 v62, v6;
	v30 =	vsub.f32 $2.000000000e+00, v40  }
0x87: {  	v2 =	vmul.f32 $4.000000000e+00, v2;
	v60 =	vmul.f32 v58, v12;
	v3 =	vsub.f32 $2.000000000e+00, v3  }
0x88: {  	v39 =	vmul.f32 v36, v18;
	v6 =	vsub.f32 $2.000000000e+00, v37;
	v45 =	vmul.f32 v63, v30  }
0x89: {  	v61 =	vsub.f32 $2.000000000e+00, v59;
	v19 =	vmul.f32 v38, v43;
	v3 =	vmul.f32 v3, v10  }
0x8a: {  	v46 =	vsub.f32 $2.000000000e+00, v60;
	v6 =	vmul.f32 v6, v62;
	v47 =	vmul.f32 v45, v28  }
0x8b: {  	v10 =	vsub.f32 $2.000000000e+00, v42;
	v22 =	vmul.f32 v61, v22;
	v48 =	vmul.f32 v19, v26  }
0x8c: {  	v6 =	vadd.f32 v6, v13;
	v13 =	vmul.f32 v46, v58;
	v14 =	vsub.f32 $2.000000000e+00, v47  }
0x8d: {  	[tilespmem:s15+$0x10EC0] =	vst v4;
	v50 =	vsub.f32 $2.000000000e+00, v39;
	v10 =	vmul.f32 v10, v23;
	v44 =	vmul.f32 v22, v16  }
0x8e: {  	[tilespmem:s15+$0x16900] =	vst v3;
	v3 =	vsub.f32 $2.000000000e+00, v48;
	v51 =	vmul.f32 v13, v12;
	v14 =	vmul.f32 v14, v45  }
0x8f: {  	[tilespmem:s15+$0xF830] =	vst v2;
	v52 =	vmul.f32 v50, v36;
	v2 =	vmul.f32 v10, v9;
	v49 =	vsub.f32 $2.000000000e+00, v44  }
0x90: {  	[tilespmem:s15+$0x19620] =	vst v17;
	v6 =	vmul.f32 $4.000000000e+00, v6;
	v53 =	vsub.f32 $2.000000000e+00, v51;
	v54 =	vmul.f32 v14, v28  }
0x91: {  	[tilespmem:s15+$0x17F90] =	vst v5;
	v3 =	vmul.f32 v3, v19;
	v55 =	vmul.f32 v52, v18;
	v2 =	vsub.f32 $2.000000000e+00, v2  }
0x92: {  	v56 =	vpop (erf);
	v4 =	vmul.f32 v49, v22;
	[tilespmem:s15+$0xE1A0] =	vst v6;
	v57 =	vmul.f32 v53, v13;
	v58 =	vsub.f32 $2.000000000e+00, v54  }
0x93: {  	v1 =	vmul.f32 v56, v1;
	v5 =	vsub.f32 $2.000000000e+00, v55;
	v59 =	vmul.f32 v3, v26;
	[tilespmem:s16+$0x12550] =	vst v7  }
0x94: {  	v2 =	vmul.f32 v2, v10;
	[tilespmem:s16+$0x1ACB0] =	vst v4;
	v60 =	vadd.f32 v57, v8;
	v61 =	vmul.f32 v58, v14  }
0x95: {  	[tilespmem:s16+$0x10EC0] =	vst v1;
	v1 =	vmul.f32 v5, v52;
	v62 =	vsub.f32 $2.000000000e+00, v59  }
0x96: {  	s14 =	smul.u32 $0x5A40, s14;
	[tilespmem:s16+$0x19620] =	vst v2;
	v2 =	vmul.f32 $4.000000000e+00, v60;
	v63 =	vadd.f32 v61, v11  }
0x97: {  	[tilespmem:s16+$0x16900] =	vst v1;
	v1 =	vmul.f32 v62, v3  }
0x98: {  	s12 =	sadd.s32 $0x1, s12;
	s13 =	sadd.s32 s13, s14;
	[tilespmem:s16+$0xF830] =	vst v2;
	v2 =	vmul.f32 $4.000000000e+00, v63  }
0x99: {  	p0 =	sne.s32 s12, $0x6;
	s13 =	sshrl.u32 s13, $0x3;
	[tilespmem:s16+$0x17F90] =	vst v1  }
.Ltmp1:
0x9a: {  	s13 =	sadd.s32 s4, s13;
	[tilespmem:s16+$0xE1A0] =	vst v2;
	(pc) =	sbr.rel @p0 .LBB2_2-.Ltmp1, $4  }
0x9b: {  	[hbm4b:s13+s7] =	stream.strided.scatter [tilespmem:s11], [sflag:$0x1], $0xE1A0, s10, s7, $0x38;
	[tilespmem:$0x1C340] =	vst v63  }
0x9c: {  	_ =	swait.ge [sflag:s9], $0xE1A0  }
0x9d: {  	[sflag:s9] =	ssyncset.done $0x0  }
0x9e: {  	[sflag:s9] =	ssyncadd.s32 $0xFFFF1E60  }
0x9f: {  	s3 =	sadd.s32 $0x1, s3  }
0xa0: {  	p0 =	sne.s32 s3, s6  }
.Ltmp2:
0xa1: {  	_ = 	snop;
	(pc) =	sbr.rel @p0 .LBB2_1-.Ltmp2, $1  }
0xa2: {  	_ =	sdelay $0x3  }
0xa3: {  	_ =	sfence.sel $0x180000  }
0xa4: {  	[bflag:$0x0] =	sbarrier.arrive $0xFFFF  }
0xa5: {  	p0 =	sne.s32 s2, $0x0;
	_ =	strace $0x90000047  }
0xa6: {  	s0 =	sadd.s32 @!p0 $0x100000, s0;
	[bflag:$0x2] =	sbarrier.arrive $0xFFFF  }
0xa7: {  	[sflag:s0] =	ssyncadd.tile.s32 @!p0 $0x1;
	_ =	shalt  }
.Lfunc_end2:
_tile_overlayer_lowered:
.L_overlay_start_2:
0xa8: {  	(tag) =	ssettag $0x2  }
0xa9: {  	s0 =	rddreg [dreg:$0x0];
	s2 =	stileid.u32  }
0xaa: {  	s1 =	rddreg [dreg:$0x1];
	p0 =	sne.s32 s2, $0x0  }
0xab: {  	s3 =	rddreg [dreg:$0x2];
	[bflag:$0x3] =	sbarrier.arrive $0xFFFF;
	s2 =	simm.s32 @!p0 $0x1C01  }
0xac: {  	[timem:s3], [sflag:s2] =	dma.local @!p0 [hbm:s0], s1  }
0xad: {  	s0 =	simm.s32 @!p0 $0x1  }
0xae: {  	_ =	swait.ge @!p0 [sflag:s0], s1  }
0xaf: {  	s1 =	ssub.s32 @!p0 $0x0, s1;
	[sflag:s0] =	ssyncset.done @!p0 $0x0  }
0xb0: {  	[sflag:s0] =	ssyncadd.s32 @!p0 s1  }
0xb1: {  	[bflag:$0x3] =	sbarrier.arrive $0xFFFF  }
0xb2: {  	_ =	shalt  }

</sc_bundles>
